<compile_context>
chip_gen: v7x
topology: tpu7x:2x2x1
jax: 0.10.2.dev20260603
libtpu: 0.0.44.dev20260713+nightly
codegen_flags: <defaults>
</compile_context>

<pallas_src>
import functools

import jax
import jax.numpy as jnp
from jax import lax
from jax.experimental import pallas as pl
from jax.experimental.pallas import tpu as pltpu
from jax.experimental.pallas import tpu_sc as plsc

N, D = 16384, 128
NC, NS = 2, 16
NW = NC * NS
B_W = N // NW
CHUNK = 128
NCH = B_W // CHUNK

with jax.default_device(jax.devices("cpu")[0]):
    _PERM = jax.random.permutation(jax.random.key(42), N)
    _INV = jnp.argsort(_PERM).astype(jnp.int32).reshape(NW, NCH, CHUNK)


def _shuffle_body(x_hbm, idx_hbm, out_hbm, idx_v, rows_v, s0, s1, s2, s3, s_out):
    wid = lax.axis_index("s") * NC + lax.axis_index("c")
    base = wid * B_W
    sems = (s0, s1, s2, s3)
    reads = [
        pltpu.async_copy(
            x_hbm.at[pl.ds(base + c * CHUNK, CHUNK)],
            rows_v.at[pl.ds(c * CHUNK, CHUNK)],
            sems[c],
        )
        for c in range(NCH)
    ]
    pltpu.sync_copy(idx_hbm.at[wid], idx_v)
    scatters = []
    for c in range(NCH):
        reads[c].wait()
        scatters.append(
            pltpu.async_copy(
                rows_v.at[pl.ds(c * CHUNK, CHUNK)],
                out_hbm.at[idx_v.at[c]],
                s_out,
            )
        )
    for cp in scatters:
        cp.wait()


_shuffle = functools.partial(
    pl.kernel,
    mesh=plsc.VectorSubcoreMesh(core_axis_name="c", subcore_axis_name="s"),
    out_type=jax.ShapeDtypeStruct((N, D), jnp.float32),
    scratch_types=[
        pltpu.VMEM((NCH, CHUNK), jnp.int32),
        pltpu.VMEM((B_W, D), jnp.float32),
        pltpu.SemaphoreType.DMA,
        pltpu.SemaphoreType.DMA,
        pltpu.SemaphoreType.DMA,
        pltpu.SemaphoreType.DMA,
        pltpu.SemaphoreType.DMA,
    ],
)(_shuffle_body)


def kernel(x):
    return _shuffle(x, _INV)

# --- scband reference (transcript-rebuilt; emitter-appended) ---
"""Pipeline reference for scband-randomize-38087769981445 (READ-ONLY COPY).

The authoritative reference and input builder live on the scoring server;
editing this copy changes nothing except your own understanding.
"""

import jax, jax.numpy as jnp
import numpy as np

def setup_inputs(seed: int = 0) -> dict:
    key = jax.random.key(seed)
    x = jax.random.normal(key, (16384, 128), dtype=jnp.float32)
    return {"x": x}

def reference(x):
    # torch.randperm(len(x)) -> deterministic jax permutation of the batch dim
    perm = jax.random.permutation(jax.random.key(42), x.shape[0])
    return jnp.take(x, perm, axis=0)

if __name__ == "__main__":
    import jax
    _d = setup_inputs()
    print(jax.jit(kernel)(*tuple(_d.values())))

</pallas_src>

<mosaic_0001>
#map = affine_map<(d0, d1) -> (0, 0)>
#map1 = affine_map<(d0, d1) -> (0, 0, 0)>
module attributes {stable_mosaic.version = 14 : i64} {
  func.func @_shuffle_body(%arg0: i32, %arg1: i32, %arg2: memref<16384x128xf32, #tpu.memory_space<hbm>>, %arg3: memref<32x4x128xi32, #tpu.memory_space<hbm>>, %arg4: memref<16384x128xf32, #tpu.memory_space<hbm>>, %arg5: memref<4x128xi32, #tpu.memory_space<vmem>>, %arg6: memref<512x128xf32, #tpu.memory_space<vmem>>, %arg7: memref<!tpu.dma_semaphore, #tpu.memory_space<semaphore_mem>>, %arg8: memref<!tpu.dma_semaphore, #tpu.memory_space<semaphore_mem>>, %arg9: memref<!tpu.dma_semaphore, #tpu.memory_space<semaphore_mem>>, %arg10: memref<!tpu.dma_semaphore, #tpu.memory_space<semaphore_mem>>, %arg11: memref<!tpu.dma_semaphore, #tpu.memory_space<semaphore_mem>>) attributes {dimension_semantics = [#tpu.dimension_semantics<core_parallel>, #tpu.dimension_semantics<subcore_parallel>], iteration_bounds = array<i64: 2, 16>, scalar_prefetch = 0 : i64, scratch_operands = 7 : i64, tpu.core_type = #tpu.core_type<sc_vector_subcore>, window_params = [{transform_indices = #map}, {transform_indices = #map1}, {transform_indices = #map}]} {
    %mul3A = arith.constant 2 : i32
    %mul3A_0 = arith.muli %arg1, %mul3A : i32
    %add3A = arith.addi %mul3A_0, %arg0 : i32
    %mul3A_1 = arith.constant 512 : i32
    %mul3A_2 = arith.muli %add3A, %mul3A_1 : i32
    %add3A_3 = arith.constant 0 : i32
    %add3A_4 = arith.addi %mul3A_2, %add3A_3 : i32
    %dma_start3A = arith.constant 0 : i32
    %dma_start3A_5 = arith.constant 0 : i32
    %dma_start3A_6 = tpu.memref_slice %arg6[%dma_start3A, %dma_start3A_5] : memref<512x128xf32, #tpu.memory_space<vmem>> -> memref<128x128xf32, #tpu.memory_space<vmem>>
    %dma_start3A_7 = arith.constant 0 : i32
    %dma_start3A_8 = tpu.memref_slice %arg2[%add3A_4, %dma_start3A_7] : memref<16384x128xf32, #tpu.memory_space<hbm>> -> memref<128x128xf32, #tpu.memory_space<hbm>>
    %dma_start3A_9 = arith.constant 0 : i32
    %dma_start3A_10 = arith.constant 0 : i32
    %dma_start3A_11 = tpu.memref_slice %arg6[%dma_start3A_9, %dma_start3A_10] : memref<512x128xf32, #tpu.memory_space<vmem>> -> memref<128x128xf32, #tpu.memory_space<vmem>>
    %dma_start3A_12 = arith.constant 0 : i32
    %dma_start3A_13 = tpu.memref_slice %arg2[%add3A_4, %dma_start3A_12] : memref<16384x128xf32, #tpu.memory_space<hbm>> -> memref<128x128xf32, #tpu.memory_space<hbm>>
    tpu.enqueue_dma source(%dma_start3A_13 : memref<128x128xf32, #tpu.memory_space<hbm>>) target(%dma_start3A_11 : memref<128x128xf32, #tpu.memory_space<vmem>>) target_semaphore(%arg7 : memref<!tpu.dma_semaphore, #tpu.memory_space<semaphore_mem>>)
    %add3A_14 = arith.constant 128 : i32
    %add3A_15 = arith.addi %mul3A_2, %add3A_14 : i32
    %dma_start3A_16 = arith.constant 128 : i32
    %dma_start3A_17 = arith.constant 0 : i32
    %dma_start3A_18 = tpu.memref_slice %arg6[%dma_start3A_16, %dma_start3A_17] : memref<512x128xf32, #tpu.memory_space<vmem>> -> memref<128x128xf32, #tpu.memory_space<vmem>>
    %dma_start3A_19 = arith.constant 0 : i32
    %dma_start3A_20 = tpu.memref_slice %arg2[%add3A_15, %dma_start3A_19] : memref<16384x128xf32, #tpu.memory_space<hbm>> -> memref<128x128xf32, #tpu.memory_space<hbm>>
    %dma_start3A_21 = arith.constant 128 : i32
    %dma_start3A_22 = arith.constant 0 : i32
    %dma_start3A_23 = tpu.memref_slice %arg6[%dma_start3A_21, %dma_start3A_22] : memref<512x128xf32, #tpu.memory_space<vmem>> -> memref<128x128xf32, #tpu.memory_space<vmem>>
    %dma_start3A_24 = arith.constant 0 : i32
    %dma_start3A_25 = tpu.memref_slice %arg2[%add3A_15, %dma_start3A_24] : memref<16384x128xf32, #tpu.memory_space<hbm>> -> memref<128x128xf32, #tpu.memory_space<hbm>>
    tpu.enqueue_dma source(%dma_start3A_25 : memref<128x128xf32, #tpu.memory_space<hbm>>) target(%dma_start3A_23 : memref<128x128xf32, #tpu.memory_space<vmem>>) target_semaphore(%arg8 : memref<!tpu.dma_semaphore, #tpu.memory_space<semaphore_mem>>)
    %add3A_26 = arith.constant 256 : i32
    %add3A_27 = arith.addi %mul3A_2, %add3A_26 : i32
    %dma_start3A_28 = arith.constant 256 : i32
    %dma_start3A_29 = arith.constant 0 : i32
    %dma_start3A_30 = tpu.memref_slice %arg6[%dma_start3A_28, %dma_start3A_29] : memref<512x128xf32, #tpu.memory_space<vmem>> -> memref<128x128xf32, #tpu.memory_space<vmem>>
    %dma_start3A_31 = arith.constant 0 : i32
    %dma_start3A_32 = tpu.memref_slice %arg2[%add3A_27, %dma_start3A_31] : memref<16384x128xf32, #tpu.memory_space<hbm>> -> memref<128x128xf32, #tpu.memory_space<hbm>>
    %dma_start3A_33 = arith.constant 256 : i32
    %dma_start3A_34 = arith.constant 0 : i32
    %dma_start3A_35 = tpu.memref_slice %arg6[%dma_start3A_33, %dma_start3A_34] : memref<512x128xf32, #tpu.memory_space<vmem>> -> memref<128x128xf32, #tpu.memory_space<vmem>>
    %dma_start3A_36 = arith.constant 0 : i32
    %dma_start3A_37 = tpu.memref_slice %arg2[%add3A_27, %dma_start3A_36] : memref<16384x128xf32, #tpu.memory_space<hbm>> -> memref<128x128xf32, #tpu.memory_space<hbm>>
    tpu.enqueue_dma source(%dma_start3A_37 : memref<128x128xf32, #tpu.memory_space<hbm>>) target(%dma_start3A_35 : memref<128x128xf32, #tpu.memory_space<vmem>>) target_semaphore(%arg9 : memref<!tpu.dma_semaphore, #tpu.memory_space<semaphore_mem>>)
    %add3A_38 = arith.constant 384 : i32
    %add3A_39 = arith.addi %mul3A_2, %add3A_38 : i32
    %dma_start3A_40 = arith.constant 384 : i32
    %dma_start3A_41 = arith.constant 0 : i32
    %dma_start3A_42 = tpu.memref_slice %arg6[%dma_start3A_40, %dma_start3A_41] : memref<512x128xf32, #tpu.memory_space<vmem>> -> memref<128x128xf32, #tpu.memory_space<vmem>>
    %dma_start3A_43 = arith.constant 0 : i32
    %dma_start3A_44 = tpu.memref_slice %arg2[%add3A_39, %dma_start3A_43] : memref<16384x128xf32, #tpu.memory_space<hbm>> -> memref<128x128xf32, #tpu.memory_space<hbm>>
    %dma_start3A_45 = arith.constant 384 : i32
    %dma_start3A_46 = arith.constant 0 : i32
    %dma_start3A_47 = tpu.memref_slice %arg6[%dma_start3A_45, %dma_start3A_46] : memref<512x128xf32, #tpu.memory_space<vmem>> -> memref<128x128xf32, #tpu.memory_space<vmem>>
    %dma_start3A_48 = arith.constant 0 : i32
    %dma_start3A_49 = tpu.memref_slice %arg2[%add3A_39, %dma_start3A_48] : memref<16384x128xf32, #tpu.memory_space<hbm>> -> memref<128x128xf32, #tpu.memory_space<hbm>>
    tpu.enqueue_dma source(%dma_start3A_49 : memref<128x128xf32, #tpu.memory_space<hbm>>) target(%dma_start3A_47 : memref<128x128xf32, #tpu.memory_space<vmem>>) target_semaphore(%arg10 : memref<!tpu.dma_semaphore, #tpu.memory_space<semaphore_mem>>)
    "tpu.region"() ({
      %run_scoped3A = tpu.sem_alloc : memref<!tpu.dma_semaphore, #tpu.memory_space<semaphore_mem>>
      %dma_start3A_169 = arith.constant 0 : i32
      %dma_start3A_170 = arith.constant 0 : i32
      %dma_start3A_171 = tpu.memref_slice %arg3[%add3A, %dma_start3A_169, %dma_start3A_170] : memref<32x4x128xi32, #tpu.memory_space<hbm>> -> memref<1x4x128xi32, #tpu.memory_space<hbm>>
      %dma_start3A_172 = tpu.memref_squeeze %dma_start3A_171 : memref<1x4x128xi32, #tpu.memory_space<hbm>> -> memref<4x128xi32, #tpu.memory_space<hbm>>
      %dma_start3A_173 = arith.constant 0 : i32
      %dma_start3A_174 = arith.constant 0 : i32
      %dma_start3A_175 = tpu.memref_slice %arg3[%add3A, %dma_start3A_173, %dma_start3A_174] : memref<32x4x128xi32, #tpu.memory_space<hbm>> -> memref<1x4x128xi32, #tpu.memory_space<hbm>>
      %dma_start3A_176 = tpu.memref_squeeze %dma_start3A_175 : memref<1x4x128xi32, #tpu.memory_space<hbm>> -> memref<4x128xi32, #tpu.memory_space<hbm>>
      tpu.enqueue_dma source(%dma_start3A_176 : memref<4x128xi32, #tpu.memory_space<hbm>>) target(%arg5 : memref<4x128xi32, #tpu.memory_space<vmem>>) target_semaphore(%run_scoped3A : memref<!tpu.dma_semaphore, #tpu.memory_space<semaphore_mem>>)
      %dma_wait3A_177 = arith.constant 0 : i32
      %dma_wait3A_178 = arith.constant 0 : i32
      %dma_wait3A_179 = tpu.memref_slice %arg3[%add3A, %dma_wait3A_177, %dma_wait3A_178] : memref<32x4x128xi32, #tpu.memory_space<hbm>> -> memref<1x4x128xi32, #tpu.memory_space<hbm>>
      %dma_wait3A_180 = tpu.memref_squeeze %dma_wait3A_179 : memref<1x4x128xi32, #tpu.memory_space<hbm>> -> memref<4x128xi32, #tpu.memory_space<hbm>>
      %dma_wait3A_181 = arith.constant 0 : i32
      %dma_wait3A_182 = arith.constant 0 : i32
      %dma_wait3A_183 = tpu.memref_slice %arg3[%add3A, %dma_wait3A_181, %dma_wait3A_182] : memref<32x4x128xi32, #tpu.memory_space<hbm>> -> memref<1x4x128xi32, #tpu.memory_space<hbm>>
      %dma_wait3A_184 = tpu.memref_squeeze %dma_wait3A_183 : memref<1x4x128xi32, #tpu.memory_space<hbm>> -> memref<4x128xi32, #tpu.memory_space<hbm>>
      tpu.wait_dma2 semaphore(%run_scoped3A : memref<!tpu.dma_semaphore, #tpu.memory_space<semaphore_mem>>) src(%dma_wait3A_184 : memref<4x128xi32, #tpu.memory_space<hbm>>) dst(%arg5 : memref<4x128xi32, #tpu.memory_space<vmem>>)
      tpu.yield
    }) : () -> ()
    %dma_wait3A = arith.constant 0 : i32
    %dma_wait3A_50 = arith.constant 0 : i32
    %dma_wait3A_51 = tpu.memref_slice %arg6[%dma_wait3A, %dma_wait3A_50] : memref<512x128xf32, #tpu.memory_space<vmem>> -> memref<128x128xf32, #tpu.memory_space<vmem>>
    %dma_wait3A_52 = arith.constant 0 : i32
    %dma_wait3A_53 = tpu.memref_slice %arg2[%add3A_4, %dma_wait3A_52] : memref<16384x128xf32, #tpu.memory_space<hbm>> -> memref<128x128xf32, #tpu.memory_space<hbm>>
    %dma_wait3A_54 = arith.constant 0 : i32
    %dma_wait3A_55 = arith.constant 0 : i32
    %dma_wait3A_56 = tpu.memref_slice %arg6[%dma_wait3A_54, %dma_wait3A_55] : memref<512x128xf32, #tpu.memory_space<vmem>> -> memref<128x128xf32, #tpu.memory_space<vmem>>
    %dma_wait3A_57 = arith.constant 0 : i32
    %dma_wait3A_58 = tpu.memref_slice %arg2[%add3A_4, %dma_wait3A_57] : memref<16384x128xf32, #tpu.memory_space<hbm>> -> memref<128x128xf32, #tpu.memory_space<hbm>>
    tpu.wait_dma2 semaphore(%arg7 : memref<!tpu.dma_semaphore, #tpu.memory_space<semaphore_mem>>) src(%dma_wait3A_58 : memref<128x128xf32, #tpu.memory_space<hbm>>) dst(%dma_wait3A_56 : memref<128x128xf32, #tpu.memory_space<vmem>>)
    %dma_start3A_59 = arith.constant 0 : i32
    %dma_start3A_60 = arith.constant 0 : i32
    %dma_start3A_61 = arith.constant 0 : i32
    %dma_start3A_62 = tpu.memref_slice %arg6[%dma_start3A_60, %dma_start3A_61] : memref<512x128xf32, #tpu.memory_space<vmem>> -> memref<128x128xf32, #tpu.memory_space<vmem>>
    %dma_start3A_63 = arith.constant 0 : i32
    %dma_start3A_64 = tpu.memref_slice %arg5[%dma_start3A_59, %dma_start3A_63] : memref<4x128xi32, #tpu.memory_space<vmem>> -> memref<1x128xi32, #tpu.memory_space<vmem>>
    %dma_start3A_65 = tpu.memref_squeeze %dma_start3A_64 : memref<1x128xi32, #tpu.memory_space<vmem>> -> memref<128xi32, #tpu.memory_space<vmem>>
    %dma_start3A_66 = arith.constant 0 : i32
    %dma_start3A_67 = arith.constant 0 : i32
    %dma_start3A_68 = tpu.memref_slice %arg4[%dma_start3A_66, %dma_start3A_67] : memref<16384x128xf32, #tpu.memory_space<hbm>> -> memref<16384x128xf32, #tpu.memory_space<hbm>>
    tpu.enqueue_indirect_dma source(%dma_start3A_62 : memref<128x128xf32, #tpu.memory_space<vmem>>) target(%dma_start3A_68 : memref<16384x128xf32, #tpu.memory_space<hbm>>) offsets(%dma_start3A_65 : memref<128xi32, #tpu.memory_space<vmem>>) semaphore(%arg11 : memref<!tpu.dma_semaphore, #tpu.memory_space<semaphore_mem>>)
    %dma_wait3A_69 = arith.constant 128 : i32
    %dma_wait3A_70 = arith.constant 0 : i32
    %dma_wait3A_71 = tpu.memref_slice %arg6[%dma_wait3A_69, %dma_wait3A_70] : memref<512x128xf32, #tpu.memory_space<vmem>> -> memref<128x128xf32, #tpu.memory_space<vmem>>
    %dma_wait3A_72 = arith.constant 0 : i32
    %dma_wait3A_73 = tpu.memref_slice %arg2[%add3A_15, %dma_wait3A_72] : memref<16384x128xf32, #tpu.memory_space<hbm>> -> memref<128x128xf32, #tpu.memory_space<hbm>>
    %dma_wait3A_74 = arith.constant 128 : i32
    %dma_wait3A_75 = arith.constant 0 : i32
    %dma_wait3A_76 = tpu.memref_slice %arg6[%dma_wait3A_74, %dma_wait3A_75] : memref<512x128xf32, #tpu.memory_space<vmem>> -> memref<128x128xf32, #tpu.memory_space<vmem>>
    %dma_wait3A_77 = arith.constant 0 : i32
    %dma_wait3A_78 = tpu.memref_slice %arg2[%add3A_15, %dma_wait3A_77] : memref<16384x128xf32, #tpu.memory_space<hbm>> -> memref<128x128xf32, #tpu.memory_space<hbm>>
    tpu.wait_dma2 semaphore(%arg8 : memref<!tpu.dma_semaphore, #tpu.memory_space<semaphore_mem>>) src(%dma_wait3A_78 : memref<128x128xf32, #tpu.memory_space<hbm>>) dst(%dma_wait3A_76 : memref<128x128xf32, #tpu.memory_space<vmem>>)
    %dma_start3A_79 = arith.constant 1 : i32
    %dma_start3A_80 = arith.constant 128 : i32
    %dma_start3A_81 = arith.constant 0 : i32
    %dma_start3A_82 = tpu.memref_slice %arg6[%dma_start3A_80, %dma_start3A_81] : memref<512x128xf32, #tpu.memory_space<vmem>> -> memref<128x128xf32, #tpu.memory_space<vmem>>
    %dma_start3A_83 = arith.constant 0 : i32
    %dma_start3A_84 = tpu.memref_slice %arg5[%dma_start3A_79, %dma_start3A_83] : memref<4x128xi32, #tpu.memory_space<vmem>> -> memref<1x128xi32, #tpu.memory_space<vmem>>
    %dma_start3A_85 = tpu.memref_squeeze %dma_start3A_84 : memref<1x128xi32, #tpu.memory_space<vmem>> -> memref<128xi32, #tpu.memory_space<vmem>>
    %dma_start3A_86 = arith.constant 0 : i32
    %dma_start3A_87 = arith.constant 0 : i32
    %dma_start3A_88 = tpu.memref_slice %arg4[%dma_start3A_86, %dma_start3A_87] : memref<16384x128xf32, #tpu.memory_space<hbm>> -> memref<16384x128xf32, #tpu.memory_space<hbm>>
    tpu.enqueue_indirect_dma source(%dma_start3A_82 : memref<128x128xf32, #tpu.memory_space<vmem>>) target(%dma_start3A_88 : memref<16384x128xf32, #tpu.memory_space<hbm>>) offsets(%dma_start3A_85 : memref<128xi32, #tpu.memory_space<vmem>>) semaphore(%arg11 : memref<!tpu.dma_semaphore, #tpu.memory_space<semaphore_mem>>)
    %dma_wait3A_89 = arith.constant 256 : i32
    %dma_wait3A_90 = arith.constant 0 : i32
    %dma_wait3A_91 = tpu.memref_slice %arg6[%dma_wait3A_89, %dma_wait3A_90] : memref<512x128xf32, #tpu.memory_space<vmem>> -> memref<128x128xf32, #tpu.memory_space<vmem>>
    %dma_wait3A_92 = arith.constant 0 : i32
    %dma_wait3A_93 = tpu.memref_slice %arg2[%add3A_27, %dma_wait3A_92] : memref<16384x128xf32, #tpu.memory_space<hbm>> -> memref<128x128xf32, #tpu.memory_space<hbm>>
    %dma_wait3A_94 = arith.constant 256 : i32
    %dma_wait3A_95 = arith.constant 0 : i32
    %dma_wait3A_96 = tpu.memref_slice %arg6[%dma_wait3A_94, %dma_wait3A_95] : memref<512x128xf32, #tpu.memory_space<vmem>> -> memref<128x128xf32, #tpu.memory_space<vmem>>
    %dma_wait3A_97 = arith.constant 0 : i32
    %dma_wait3A_98 = tpu.memref_slice %arg2[%add3A_27, %dma_wait3A_97] : memref<16384x128xf32, #tpu.memory_space<hbm>> -> memref<128x128xf32, #tpu.memory_space<hbm>>
    tpu.wait_dma2 semaphore(%arg9 : memref<!tpu.dma_semaphore, #tpu.memory_space<semaphore_mem>>) src(%dma_wait3A_98 : memref<128x128xf32, #tpu.memory_space<hbm>>) dst(%dma_wait3A_96 : memref<128x128xf32, #tpu.memory_space<vmem>>)
    %dma_start3A_99 = arith.constant 2 : i32
    %dma_start3A_100 = arith.constant 256 : i32
    %dma_start3A_101 = arith.constant 0 : i32
    %dma_start3A_102 = tpu.memref_slice %arg6[%dma_start3A_100, %dma_start3A_101] : memref<512x128xf32, #tpu.memory_space<vmem>> -> memref<128x128xf32, #tpu.memory_space<vmem>>
    %dma_start3A_103 = arith.constant 0 : i32
    %dma_start3A_104 = tpu.memref_slice %arg5[%dma_start3A_99, %dma_start3A_103] : memref<4x128xi32, #tpu.memory_space<vmem>> -> memref<1x128xi32, #tpu.memory_space<vmem>>
    %dma_start3A_105 = tpu.memref_squeeze %dma_start3A_104 : memref<1x128xi32, #tpu.memory_space<vmem>> -> memref<128xi32, #tpu.memory_space<vmem>>
    %dma_start3A_106 = arith.constant 0 : i32
    %dma_start3A_107 = arith.constant 0 : i32
    %dma_start3A_108 = tpu.memref_slice %arg4[%dma_start3A_106, %dma_start3A_107] : memref<16384x128xf32, #tpu.memory_space<hbm>> -> memref<16384x128xf32, #tpu.memory_space<hbm>>
    tpu.enqueue_indirect_dma source(%dma_start3A_102 : memref<128x128xf32, #tpu.memory_space<vmem>>) target(%dma_start3A_108 : memref<16384x128xf32, #tpu.memory_space<hbm>>) offsets(%dma_start3A_105 : memref<128xi32, #tpu.memory_space<vmem>>) semaphore(%arg11 : memref<!tpu.dma_semaphore, #tpu.memory_space<semaphore_mem>>)
    %dma_wait3A_109 = arith.constant 384 : i32
    %dma_wait3A_110 = arith.constant 0 : i32
    %dma_wait3A_111 = tpu.memref_slice %arg6[%dma_wait3A_109, %dma_wait3A_110] : memref<512x128xf32, #tpu.memory_space<vmem>> -> memref<128x128xf32, #tpu.memory_space<vmem>>
    %dma_wait3A_112 = arith.constant 0 : i32
    %dma_wait3A_113 = tpu.memref_slice %arg2[%add3A_39, %dma_wait3A_112] : memref<16384x128xf32, #tpu.memory_space<hbm>> -> memref<128x128xf32, #tpu.memory_space<hbm>>
    %dma_wait3A_114 = arith.constant 384 : i32
    %dma_wait3A_115 = arith.constant 0 : i32
    %dma_wait3A_116 = tpu.memref_slice %arg6[%dma_wait3A_114, %dma_wait3A_115] : memref<512x128xf32, #tpu.memory_space<vmem>> -> memref<128x128xf32, #tpu.memory_space<vmem>>
    %dma_wait3A_117 = arith.constant 0 : i32
    %dma_wait3A_118 = tpu.memref_slice %arg2[%add3A_39, %dma_wait3A_117] : memref<16384x128xf32, #tpu.memory_space<hbm>> -> memref<128x128xf32, #tpu.memory_space<hbm>>
    tpu.wait_dma2 semaphore(%arg10 : memref<!tpu.dma_semaphore, #tpu.memory_space<semaphore_mem>>) src(%dma_wait3A_118 : memref<128x128xf32, #tpu.memory_space<hbm>>) dst(%dma_wait3A_116 : memref<128x128xf32, #tpu.memory_space<vmem>>)
    %dma_start3A_119 = arith.constant 3 : i32
    %dma_start3A_120 = arith.constant 384 : i32
    %dma_start3A_121 = arith.constant 0 : i32
    %dma_start3A_122 = tpu.memref_slice %arg6[%dma_start3A_120, %dma_start3A_121] : memref<512x128xf32, #tpu.memory_space<vmem>> -> memref<128x128xf32, #tpu.memory_space<vmem>>
    %dma_start3A_123 = arith.constant 0 : i32
    %dma_start3A_124 = tpu.memref_slice %arg5[%dma_start3A_119, %dma_start3A_123] : memref<4x128xi32, #tpu.memory_space<vmem>> -> memref<1x128xi32, #tpu.memory_space<vmem>>
    %dma_start3A_125 = tpu.memref_squeeze %dma_start3A_124 : memref<1x128xi32, #tpu.memory_space<vmem>> -> memref<128xi32, #tpu.memory_space<vmem>>
    %dma_start3A_126 = arith.constant 0 : i32
    %dma_start3A_127 = arith.constant 0 : i32
    %dma_start3A_128 = tpu.memref_slice %arg4[%dma_start3A_126, %dma_start3A_127] : memref<16384x128xf32, #tpu.memory_space<hbm>> -> memref<16384x128xf32, #tpu.memory_space<hbm>>
    tpu.enqueue_indirect_dma source(%dma_start3A_122 : memref<128x128xf32, #tpu.memory_space<vmem>>) target(%dma_start3A_128 : memref<16384x128xf32, #tpu.memory_space<hbm>>) offsets(%dma_start3A_125 : memref<128xi32, #tpu.memory_space<vmem>>) semaphore(%arg11 : memref<!tpu.dma_semaphore, #tpu.memory_space<semaphore_mem>>)
    %dma_wait3A_129 = arith.constant 0 : i32
    %dma_wait3A_130 = arith.constant 0 : i32
    %dma_wait3A_131 = arith.constant 0 : i32
    %dma_wait3A_132 = tpu.memref_slice %arg6[%dma_wait3A_130, %dma_wait3A_131] : memref<512x128xf32, #tpu.memory_space<vmem>> -> memref<128x128xf32, #tpu.memory_space<vmem>>
    %dma_wait3A_133 = arith.constant 0 : i32
    %dma_wait3A_134 = tpu.memref_slice %arg5[%dma_wait3A_129, %dma_wait3A_133] : memref<4x128xi32, #tpu.memory_space<vmem>> -> memref<1x128xi32, #tpu.memory_space<vmem>>
    %dma_wait3A_135 = tpu.memref_squeeze %dma_wait3A_134 : memref<1x128xi32, #tpu.memory_space<vmem>> -> memref<128xi32, #tpu.memory_space<vmem>>
    %dma_wait3A_136 = arith.constant 0 : i32
    %dma_wait3A_137 = arith.constant 0 : i32
    %dma_wait3A_138 = tpu.memref_slice %arg4[%dma_wait3A_136, %dma_wait3A_137] : memref<16384x128xf32, #tpu.memory_space<hbm>> -> memref<16384x128xf32, #tpu.memory_space<hbm>>
    tpu.wait_indirect_dma semaphore(%arg11 : memref<!tpu.dma_semaphore, #tpu.memory_space<semaphore_mem>>) src(%dma_wait3A_132 : memref<128x128xf32, #tpu.memory_space<vmem>>) dst(%dma_wait3A_138 : memref<16384x128xf32, #tpu.memory_space<hbm>>)
    %dma_wait3A_139 = arith.constant 1 : i32
    %dma_wait3A_140 = arith.constant 128 : i32
    %dma_wait3A_141 = arith.constant 0 : i32
    %dma_wait3A_142 = tpu.memref_slice %arg6[%dma_wait3A_140, %dma_wait3A_141] : memref<512x128xf32, #tpu.memory_space<vmem>> -> memref<128x128xf32, #tpu.memory_space<vmem>>
    %dma_wait3A_143 = arith.constant 0 : i32
    %dma_wait3A_144 = tpu.memref_slice %arg5[%dma_wait3A_139, %dma_wait3A_143] : memref<4x128xi32, #tpu.memory_space<vmem>> -> memref<1x128xi32, #tpu.memory_space<vmem>>
    %dma_wait3A_145 = tpu.memref_squeeze %dma_wait3A_144 : memref<1x128xi32, #tpu.memory_space<vmem>> -> memref<128xi32, #tpu.memory_space<vmem>>
    %dma_wait3A_146 = arith.constant 0 : i32
    %dma_wait3A_147 = arith.constant 0 : i32
    %dma_wait3A_148 = tpu.memref_slice %arg4[%dma_wait3A_146, %dma_wait3A_147] : memref<16384x128xf32, #tpu.memory_space<hbm>> -> memref<16384x128xf32, #tpu.memory_space<hbm>>
    tpu.wait_indirect_dma semaphore(%arg11 : memref<!tpu.dma_semaphore, #tpu.memory_space<semaphore_mem>>) src(%dma_wait3A_142 : memref<128x128xf32, #tpu.memory_space<vmem>>) dst(%dma_wait3A_148 : memref<16384x128xf32, #tpu.memory_space<hbm>>)
    %dma_wait3A_149 = arith.constant 2 : i32
    %dma_wait3A_150 = arith.constant 256 : i32
    %dma_wait3A_151 = arith.constant 0 : i32
    %dma_wait3A_152 = tpu.memref_slice %arg6[%dma_wait3A_150, %dma_wait3A_151] : memref<512x128xf32, #tpu.memory_space<vmem>> -> memref<128x128xf32, #tpu.memory_space<vmem>>
    %dma_wait3A_153 = arith.constant 0 : i32
    %dma_wait3A_154 = tpu.memref_slice %arg5[%dma_wait3A_149, %dma_wait3A_153] : memref<4x128xi32, #tpu.memory_space<vmem>> -> memref<1x128xi32, #tpu.memory_space<vmem>>
    %dma_wait3A_155 = tpu.memref_squeeze %dma_wait3A_154 : memref<1x128xi32, #tpu.memory_space<vmem>> -> memref<128xi32, #tpu.memory_space<vmem>>
    %dma_wait3A_156 = arith.constant 0 : i32
    %dma_wait3A_157 = arith.constant 0 : i32
    %dma_wait3A_158 = tpu.memref_slice %arg4[%dma_wait3A_156, %dma_wait3A_157] : memref<16384x128xf32, #tpu.memory_space<hbm>> -> memref<16384x128xf32, #tpu.memory_space<hbm>>
    tpu.wait_indirect_dma semaphore(%arg11 : memref<!tpu.dma_semaphore, #tpu.memory_space<semaphore_mem>>) src(%dma_wait3A_152 : memref<128x128xf32, #tpu.memory_space<vmem>>) dst(%dma_wait3A_158 : memref<16384x128xf32, #tpu.memory_space<hbm>>)
    %dma_wait3A_159 = arith.constant 3 : i32
    %dma_wait3A_160 = arith.constant 384 : i32
    %dma_wait3A_161 = arith.constant 0 : i32
    %dma_wait3A_162 = tpu.memref_slice %arg6[%dma_wait3A_160, %dma_wait3A_161] : memref<512x128xf32, #tpu.memory_space<vmem>> -> memref<128x128xf32, #tpu.memory_space<vmem>>
    %dma_wait3A_163 = arith.constant 0 : i32
    %dma_wait3A_164 = tpu.memref_slice %arg5[%dma_wait3A_159, %dma_wait3A_163] : memref<4x128xi32, #tpu.memory_space<vmem>> -> memref<1x128xi32, #tpu.memory_space<vmem>>
    %dma_wait3A_165 = tpu.memref_squeeze %dma_wait3A_164 : memref<1x128xi32, #tpu.memory_space<vmem>> -> memref<128xi32, #tpu.memory_space<vmem>>
    %dma_wait3A_166 = arith.constant 0 : i32
    %dma_wait3A_167 = arith.constant 0 : i32
    %dma_wait3A_168 = tpu.memref_slice %arg4[%dma_wait3A_166, %dma_wait3A_167] : memref<16384x128xf32, #tpu.memory_space<hbm>> -> memref<16384x128xf32, #tpu.memory_space<hbm>>
    tpu.wait_indirect_dma semaphore(%arg11 : memref<!tpu.dma_semaphore, #tpu.memory_space<semaphore_mem>>) src(%dma_wait3A_162 : memref<128x128xf32, #tpu.memory_space<vmem>>) dst(%dma_wait3A_168 : memref<16384x128xf32, #tpu.memory_space<hbm>>)
    return
  }
}

</mosaic_0001>

<sc_bundles>
// kernel: kernel.3.cloned.1.call-start
scs
__scs_entry_jumppad:
0x0: {  	(pc) =	sbr.rel $0x88, $3  }
0x1: {  	(tag) =	ssettag $0x0;
	lr =	simm.s32 $0x1  }
0x2: {  	[smem:$0x3FA0] =	sst lr;
	_ =	strace $0xD0000000  }
0x3: {  	_ = 	snop  }
0x4: {  	_ = 	snop  }
0x5: {  	_ = 	snop  }
0x6: {  	_ = 	snop  }
0x7: {  	_ = 	snop  }
__scs_overlays_trampoline_lowered:
0x8: {  	[smem:$0x3FAF] =	sst s0  }
0x9: {  	[smem:$0x3FB0] =	sst s1  }
0xa: {  	[smem:$0x3FB1] =	sst s2  }
0xb: {  	[smem:$0x3FB2] =	sst s3  }
0xc: {  	[smem:$0x3FB3] =	sst s4  }
0xd: {  	[smem:$0x3FB4] =	sst s5  }
0xe: {  	[smem:$0x3FB5] =	sst s6  }
0xf: {  	[smem:$0x3FB6] =	sst s7  }
0x10: {  	[smem:$0x3FB7] =	sst s8  }
0x11: {  	[smem:$0x3FB8] =	sst s9;
	s0 =	simm.s32 @!p0 $0x0  }
0x12: {  	s1 =	sld [smem:$0x3F9E];
	s0 =	simm.s32 @p0 $0x1  }
0x13: {  	[smem:$0x3FB9] =	sst s0;
	s0 =	simm.s32 @!p1 $0x0  }
0x14: {  	s2 =	sld [smem:$0x3F9D];
	s0 =	simm.s32 @p1 $0x1  }
0x15: {  	[smem:$0x3FBA] =	sst s0;
	s0 =	simm.s32 @!p2 $0x0  }
0x16: {  	s3 =	sld [smem:$0x3FDB];
	s0 =	simm.s32 @p2 $0x1  }
0x17: {  	s4 =	simm.s32 $0x1BF5;
	[smem:$0x3FBC] =	sst s0  }
0x18: {  	s0 =	sld [smem:$0x3F9F];
	_ =	swait.ge [sflag:s4], $0x0  }
0x19: {  	s7 =	sld [smem:$0x3FA0]  }
0x1a: {  	s8 =	sadd.s32 $0xFFFFE003, lr  }
0x1b: {  	s9 =	sadd.s32 $0xFFFFFEF7, lr;
	s5 =	simm.s32 $0xFFFFFFFF;
	p2 =	slt.u32 s8, $0xFFFFF086  }
0x1c: {  	p1 =	slt.u32 s9, $0xF7A;
	s5 =	simm.s32 @!p2 $0x0  }
0x1d: {  	s5 =	simm.s32 @p1 $0x1;
	p0 =	seq.s32 s7, s2  }
0x1e: {  	s7 =	smul.u32 @!p0 $0xF7A, s2;
	p2 =	seq.s32 @!p0 s5, $0x0  }
0x1f: {  	s9 =	smul.u32 $0xF7A, s1;
	s8 =	simm.s32 @!p0 $0x1BF5;
	p2 =	por !p2, p0  }
0x20: {  	[sflag:s8] =	ssyncset.s32 @!p0 $0xFFFFF086;
	s6 =	sadd.s32 @!p0 s3, s7;
	s7 =	simm.s32 @!p0 $0x108  }
0x21: {  	s3 =	sadd.s32 s3, s9;
	s6 =	sadd.s32 @!p0 $0x88, s6;
	s7 =	simm.s32 @p2 $0x1082  }
0x22: {  	[simem:s7], [sflag:s8] =	dma.local @!p0 [hbm:s6], $0xF7A  }
0x23: {  	s9 =	sor.u32 $0xD0000000, s2;
	s6 =	simm.s32 $0x108;
	_ =	swait.ge @!p0 [sflag:s8], $0x0  }
0x24: {  	s3 =	sadd.s32 $0x88, s3;
	s6 =	simm.s32 @!p1 $0x1082;
	[sflag:s4] =	ssyncset.s32 $0xFFFFF086  }
0x25: {  	[simem:s6], [sflag:s4] =	dma.local [hbm:s3], $0xF7A  }
0x26: {  	[smem:$0x3FA0] =	sst s1;
	(tag) =	ssettag s2;
	_ =	strace s9  }
0x27: {  	s1 =	sld [smem:$0x3FB0]  }
0x28: {  	s2 =	sld [smem:$0x3FB1]  }
0x29: {  	s4 =	sld [smem:$0x3FB3]  }
0x2a: {  	p0 =	seq.s32 s5, $0x0;
	s5 =	sld [smem:$0x3FB4]  }
0x2b: {  	s6 =	sld [smem:$0x3FB5]  }
0x2c: {  	s7 =	sld [smem:$0x3FB6]  }
0x2d: {  	s3 =	simm.s32 $0x108;
	s8 =	sld [smem:$0x3FB7]  }
0x2e: {  	s3 =	simm.s32 @!p0 $0x1082;
	s9 =	sld [smem:$0x3FB8]  }
0x2f: {  	lr =	sadd.s32 s0, s3;
	s0 =	sld [smem:$0x3FAF]  }
0x30: {  	s3 =	sld [smem:$0x3FB2]  }
0x31: {  	[smem:$0x3FBB] =	sst s10  }
0x32: {  	s10 =	sld [smem:$0x3FB9];
	_ =	sdelay $0x3  }
0x33: {  	p0 =	seq.s32 s10, $0x1;
	s10 =	sld [smem:$0x3FBB];
	_ =	sdelay $0x3  }
0x34: {  	[smem:$0x3FBB] =	sst s10  }
0x35: {  	s10 =	sld [smem:$0x3FBA];
	_ =	sdelay $0x3  }
0x36: {  	p1 =	seq.s32 s10, $0x1;
	s10 =	sld [smem:$0x3FBB];
	_ =	sdelay $0x3  }
0x37: {  	[smem:$0x3FBB] =	sst s10  }
0x38: {  	s10 =	sld [smem:$0x3FBC]  }
0x39: {  	_ = 	snop;
	(pc) =	sbr.ind lr, $3  }
0x3a: {  	_ = 	snop  }
0x3b: {  	_ = 	snop  }
0x3c: {  	p2 =	seq.s32 s10, $0x1;
	s10 =	sld [smem:$0x3FBB]  }
0x3d: {  	_ =	shalt  }
0x3e: {  	_ =	shalt  }
0x3f: {  	_ =	shalt  }
0x40: {  	_ =	shalt  }
0x41: {  	_ =	shalt  }
0x42: {  	_ =	shalt  }
0x43: {  	_ =	shalt  }
0x44: {  	_ =	shalt  }
0x45: {  	_ =	shalt  }
0x46: {  	_ =	shalt  }
0x47: {  	_ =	shalt  }
0x48: {  	_ =	shalt  }
0x49: {  	_ =	shalt  }
0x4a: {  	_ =	shalt  }
0x4b: {  	_ =	shalt  }
0x4c: {  	_ =	shalt  }
0x4d: {  	_ =	shalt  }
0x4e: {  	_ =	shalt  }
0x4f: {  	_ =	shalt  }
0x50: {  	_ =	shalt  }
0x51: {  	_ =	shalt  }
0x52: {  	_ =	shalt  }
0x53: {  	_ =	shalt  }
0x54: {  	_ =	shalt  }
0x55: {  	_ =	shalt  }
0x56: {  	_ =	shalt  }
0x57: {  	_ =	shalt  }
0x58: {  	_ =	shalt  }
0x59: {  	_ =	shalt  }
0x5a: {  	_ =	shalt  }
0x5b: {  	_ =	shalt  }
0x5c: {  	_ =	shalt  }
0x5d: {  	_ =	shalt  }
0x5e: {  	_ =	shalt  }
0x5f: {  	_ =	shalt  }
0x60: {  	_ =	shalt  }
0x61: {  	_ =	shalt  }
0x62: {  	_ =	shalt  }
0x63: {  	_ =	shalt  }
0x64: {  	_ =	shalt  }
0x65: {  	_ =	shalt  }
0x66: {  	_ =	shalt  }
0x67: {  	_ =	shalt  }
0x68: {  	_ =	shalt  }
0x69: {  	_ =	shalt  }
0x6a: {  	_ =	shalt  }
0x6b: {  	_ =	shalt  }
0x6c: {  	_ =	shalt  }
0x6d: {  	_ =	shalt  }
0x6e: {  	_ =	shalt  }
0x6f: {  	_ =	shalt  }
0x70: {  	_ =	shalt  }
0x71: {  	_ =	shalt  }
0x72: {  	_ =	shalt  }
0x73: {  	_ =	shalt  }
0x74: {  	_ =	shalt  }
0x75: {  	_ =	shalt  }
0x76: {  	_ =	shalt  }
0x77: {  	_ =	shalt  }
0x78: {  	_ =	shalt  }
0x79: {  	_ =	shalt  }
0x7a: {  	_ =	shalt  }
0x7b: {  	_ =	shalt  }
0x7c: {  	_ =	shalt  }
0x7d: {  	_ =	shalt  }
0x7e: {  	_ =	shalt  }
0x7f: {  	_ =	shalt  }
0x80: {  	_ =	shalt  }
0x81: {  	_ =	shalt  }
0x82: {  	_ =	shalt  }
0x83: {  	_ =	shalt  }
0x84: {  	_ =	shalt  }
0x85: {  	_ =	shalt  }
0x86: {  	_ =	shalt  }
0x87: {  	_ =	shalt  }
.Lfunc_end0:
.L_simem_size_0:
called_computation_lowered:
.L_overlay_start_0:
0x88: {  	s2 =	sld [smem:$0x3FD9]  }
0x89: {  	s3 =	sld [smem:$0x3FFE];
	_ =	sdelay $0x1  }
0x8a: {  	s1 =	srdreg.scid  }
0x8b: {  	s0 =	sand.u32 $0x1, s1  }
0x8c: {  	s17 =	sshll.u32 s0, $0xA;
	s2 =	sadd.s32 s3, s2  }
0x8d: {  	s2 =	sadd.s32 s2, s17  }
0x8e: {  	[smem:$0x3FC7] =	sst s2  }
0x8f: {  	_ = 	snop  }
0x90: {  	s2 =	sld [smem:$0x3FC9]  }
0x91: {  	s18 =	sld [smem:$0x3FD0];
	(tm) =	ssettm $0x1  }
0x92: {  	s4 =	sld [smem:$0x3FFB];
	_ =	sdelay $0x3  }
0x93: {  	_ =	strace s4  }
0x94: {  	s4 =	sld [smem:$0x3FFC];
	_ =	sdelay $0x3  }
0x95: {  	_ =	strace s4  }
0x96: {  	s4 =	sld [smem:$0x3FFD];
	_ =	sdelay $0x3  }
0x97: {  	_ =	strace s4  }
0x98: {  	_ =	strace $0x8FFFFFFF  }
0x99: {  	s19 =	sld [smem:$0x3FDB];
	_ =	sdelay $0x1  }
0x9a: {  	s5 =	simm.s32 $_scs_section_size  }
0x9b: {  	s6 =	simm.s32 $_size__tile_overlayer_lowered;
	s7 =	simm.s32 $_tile_overlayer_lowered  }
0x9c: {  	s22 =	simm.s32 $0x1BFF;
	s21 =	sshll.u32 s7, $0x1;
	s4 =	sadd.s32 s5, s19  }
0x9d: {  	s8 =	simm.s32 $0x0;
	s20 =	sshll.u32 s6, $0x1;
	s6 =	sadd.s32 s21, s4  }
0x9e: {  	[timem:s8], [sflag:s22] =	dma.local [hbm:s6], s20  }
0x9f: {  	_ =	swait.ge [sflag:s22], s20  }
0xa0: {  	s5 =	ssub.s32 $0x0, s20;
	[sflag:s22] =	ssyncset.done $0x0  }
0xa1: {  	[sflag:s22] =	ssyncadd.s32 s5;
	_ =	sdelay $0x1  }
0xa2: {  	s23 =	simm.s32 $0x1B8B  }
0xa3: {  	_ =	swait.ge [sflag:s23], $0x1  }
0xa4: {  	[sflag:s23] =	ssyncset.done $0x0  }
0xa5: {  	s25 =	simm.s32 $0x1B8E;
	s24 =	sld [smem:$0x3FFE];
	[sflag:s23] =	ssyncadd.s32 $0xFFFFFFFF  }
0xa6: {  	s26 =	simm.s32 $execute0_lowered;
	[smem:$0x3FD2] =	sst s25  }
0xa7: {  	s6 =	sshll.u32 s26, $0x1;
	_ =	strace $0x80000046;
	[dreg:$0x1] =	wrdreg $0xFFFFFFFF  }
0xa8: {  	s28 =	simm.s32 $_size_execute0_lowered;
	s4 =	sadd.s32 s4, s6;
	[dreg:$0x0] =	wrdreg $0x0  }
0xa9: {  	s6 =	sshll.u32 s28, $0x1;
	[dreg:$0x2] =	wrdreg s4  }
0xaa: {  	[dreg:$0x3] =	wrdreg s6  }
0xab: {  	[dreg:$0x4] =	wrdreg $0xC0  }
0xac: {  	_ =	task [dreg:s8], $0x5FFFF  }
0xad: {  	[dreg:$0x1] =	wrdreg $0xFFFFFFFF  }
0xae: {  	[dreg:$0x0] =	wrdreg $0x60  }
0xaf: {  	[dreg:$0x2] =	wrdreg s2  }
0xb0: {  	[dreg:$0x3] =	wrdreg s24  }
0xb1: {  	[dreg:$0x4] =	wrdreg s18  }
0xb2: {  	[dreg:$0x5] =	wrdreg $0x9  }
0xb3: {  	_ =	task.clear_ibuf [dreg:s8], $0x6FFFF;
	_ =	strace $0x90000046  }
0xb4: {  	s29 =	simm.s32 $0x9;
	_ =	strace $0x80000048  }
0xb5: {  	_ =	swait.ge [sflag:s29], $0x1  }
0xb6: {  	[sflag:s29] =	ssyncadd.s32 $0xFFFFFFFF  }
0xb7: {  	_ =	strace $0x90000048  }
0xb8: {  	_ =	sfence  }
0xb9: {  	s30 =	sld [smem:$0x0];
	_ =	sdelay $0x2  }
0xba: {  	s31 =	sshll.u32 s1, $0xD;
	s1 =	sshrl.u32 s1, $0x2  }
0xbb: {  	s3 =	sand.u32 $0x4000, s31;
	s1 =	sadd.s32 s1, s30  }
0xbc: {  	s0 =	sor.u32 s3, s0;
	s1 =	sshll.u32 s1, $0x11  }
0xbd: {  	s0 =	sor.u32 s1, s0  }
0xbe: {  	s0 =	sadd.s32 $0x8F2B, s0  }
0xbf: {  	[sflag:s0] =	ssyncadd.remote.s32 $0x1  }
0xc0: {  	_ =	sfence.sel $0xFFFF  }
0xc1: {  	[dreg:$0x0] =	wrdreg $0xFFFFFFFF;
	(pc) =	sbr.abs _section_cstart, $3  }
0xc2: {  	[dreg:$0x1] =	wrdreg $0xFFFFFFFF  }
0xc3: {  	_ =	task.clear_ibuf [dreg:s8], $0x2FFFF;
	_ =	strace $0x9FFFFFFF  }
0xc4: {  	(tm) =	ssettm $0x7FFFFFFF  }
0xc5: {  	_ =	shalt  }
tec
execute0_lowered:
.L_overlay_start_1:
0x0: {  	(tag) =	ssettag $0x1  }
0x1: {  	s4 =	rddreg [dreg:$0x0];
	s1 =	srdreg.scid  }
0x2: {  	s10 =	rddreg [dreg:$0x1];
	s0 =	stileid.u32;
	s22 =	sand.u32 $0x1, s1  }
0x3: {  	s2 =	rddreg [dreg:$0x2];
	s5 =	sshll.u32 s0, $0xA;
	s6 =	sshll.u32 s22, $0x9  }
0x4: {  	s3 =	simm.s32 $0x0;
	s1 =	rddreg [dreg:$0x3];
	s8 =	sor.u32 s6, s5  }
0x5: {  	[smem:$0x7FF] =	sst s3;
	s5 =	sshll.u32 s8, $0x4  }
0x6: {  	_ =	strace $0x80000047;
	s4 =	sadd.s32 s4, s5;
	s5 =	simm.s32 $0x200  }
0x7: {  	[tilespmem:s5], [sflag:$0x1] =	stream.linear.gather [hbm4b:s4+s3], $0x4000, $0x38;
	[tilespmem:$0x10200] =	vst v63  }
0x8: {  	s7 =	simm.s32 $0x4200;
	s6 =	sadd.s32 $0x800, s4  }
0x9: {  	[tilespmem:s7], [sflag:$0x2] =	stream.linear.gather [hbm4b:s6+s3], $0x4000, $0x38;
	[tilespmem:$0x10200] =	vst v63  }
0xa: {  	s9 =	simm.s32 $0x8200;
	s11 =	sshrl.u32 s8, $0x3;
	s8 =	sadd.s32 $0x1000, s4  }
0xb: {  	[tilespmem:s9], [sflag:$0x3] =	stream.linear.gather [hbm4b:s8+s3], $0x4000, $0x38;
	[tilespmem:$0x10200] =	vst v63  }
0xc: {  	s12 =	sadd.s32 s11, s10;
	s11 =	simm.s32 $0xC200;
	s10 =	sadd.s32 $0x1800, s4  }
0xd: {  	[tilespmem:s11], [sflag:$0x4] =	stream.linear.gather [hbm4b:s10+s3], $0x4000, $0x38;
	[tilespmem:$0x10200] =	vst v63  }
0xe: {  	s13 =	simm.s32 $0x6;
	s12 =	sadd.s32 $0x400, s12  }
0xf: {  	[tilespmem:s3], [sflag:$0x6] =	stream.linear.gather [hbm4b:s12+s3], $0x200, $0x38;
	[tilespmem:$0x10200] =	vst v63  }
0x10: {  	_ =	swait.ge [sflag:s13], $0x200  }
0x11: {  	[sflag:s13] =	ssyncset.done $0x0  }
0x12: {  	s14 =	simm.s32 $0x1;
	[sflag:s13] =	ssyncadd.s32 $0xFFFFFE00  }
0x13: {  	_ =	swait.ge [sflag:s14], $0x4000  }
0x14: {  	[sflag:s14] =	ssyncset.done $0x0  }
0x15: {  	s15 =	simm.s32 $0x80;
	s16 =	simm.s32 $0x2;
	[sflag:s14] =	ssyncadd.s32 $0xFFFFC000  }
0x16: {  	[hbm4b:s2+s15] =	stream.indirect.scatter [tilespmem:s5], [sflag:$0x5], $0x80, s3, s15, $0xb8;
	[tilespmem:$0x10200] =	vst v63  }
0x17: {  	_ =	swait.ge [sflag:s16], $0x4000  }
0x18: {  	[sflag:s16] =	ssyncset.done $0x0  }
0x19: {  	s17 =	simm.s32 $0x3;
	[sflag:s16] =	ssyncadd.s32 $0xFFFFC000  }
0x1a: {  	[hbm4b:s2+s15] =	stream.indirect.scatter [tilespmem:s7], [sflag:$0x5], $0x80, s15, s15, $0xb8;
	[tilespmem:$0x10200] =	vst v63  }
0x1b: {  	_ =	swait.ge [sflag:s17], $0x4000  }
0x1c: {  	[sflag:s17] =	ssyncset.done $0x0  }
0x1d: {  	s18 =	simm.s32 $0x100;
	s19 =	simm.s32 $0x4;
	[sflag:s17] =	ssyncadd.s32 $0xFFFFC000  }
0x1e: {  	[hbm4b:s2+s15] =	stream.indirect.scatter [tilespmem:s9], [sflag:$0x5], $0x80, s18, s15, $0xb8;
	[tilespmem:$0x10200] =	vst v63  }
0x1f: {  	_ =	swait.ge [sflag:s19], $0x4000  }
0x20: {  	[sflag:s19] =	ssyncset.done $0x0  }
0x21: {  	s21 =	simm.s32 $0x180;
	s20 =	simm.s32 $0x5;
	[sflag:s19] =	ssyncadd.s32 $0xFFFFC000  }
0x22: {  	[hbm4b:s2+s15] =	stream.indirect.scatter [tilespmem:s11], [sflag:$0x5], $0x80, s21, s15, $0xb8;
	[tilespmem:$0x10200] =	vst v63  }
0x23: {  	_ =	swait.ge [sflag:s20], $0x4000  }
0x24: {  	s22 =	ssub.s32 $0x2, s22;
	[sflag:s20] =	ssyncset.done $0x0  }
0x25: {  	s23 =	sshrl.u32 s22, $0x1;
	[sflag:s20] =	ssyncadd.s32 $0xFFFFC000  }
0x26: {  	s22 =	ssub.s32 s22, s23;
	_ =	swait.ge [sflag:s20], $0x4000  }
0x27: {  	s22 =	smax.u32 s22, $0x1;
	[sflag:s20] =	ssyncset.done $0x0  }
0x28: {  	p0 =	sne.s32 s22, $0x1;
	[sflag:s20] =	ssyncadd.s32 $0xFFFFC000  }
.Ltmp0:
0x29: {  	_ =	swait.ge [sflag:s20], $0x4000;
	(pc) =	sbr.rel @!p0 .LBB2_2-.Ltmp0, $4  }
0x2a: {  	[sflag:s20] =	ssyncset.done $0x0  }
0x2b: {  	[sflag:s20] =	ssyncadd.s32 $0xFFFFC000  }
0x2c: {  	_ =	swait.ge [sflag:s20], $0x4000  }
0x2d: {  	s22 =	sadd.s32 $0xFFFFFFFF, s22;
	[sflag:s20] =	ssyncset.done $0x0  }
.LBB2_1:
0x2e: {  	p0 =	sne.s32 s22, $0x1;
	s22 =	sadd.s32 $0xFFFFFFFF, s22;
	[sflag:s20] =	ssyncadd.s32 $0xFFFFC000  }
0x2f: {  	[tilespmem:s5], [sflag:$0x1] =	stream.linear.gather [hbm4b:s4+s3], $0x4000, $0x38;
	[tilespmem:$0x10200] =	vst v63  }
0x30: {  	_ = 	snop  }
0x31: {  	[tilespmem:s7], [sflag:$0x2] =	stream.linear.gather [hbm4b:s6+s3], $0x4000, $0x38;
	[tilespmem:$0x10200] =	vst v63  }
0x32: {  	_ = 	snop  }
0x33: {  	[tilespmem:s9], [sflag:$0x3] =	stream.linear.gather [hbm4b:s8+s3], $0x4000, $0x38;
	[tilespmem:$0x10200] =	vst v63  }
0x34: {  	_ = 	snop  }
0x35: {  	[tilespmem:s11], [sflag:$0x4] =	stream.linear.gather [hbm4b:s10+s3], $0x4000, $0x38;
	[tilespmem:$0x10200] =	vst v63  }
0x36: {  	_ = 	snop  }
0x37: {  	[tilespmem:s3], [sflag:$0x6] =	stream.linear.gather [hbm4b:s12+s3], $0x200, $0x38;
	[tilespmem:$0x10200] =	vst v63  }
0x38: {  	_ =	swait.ge [sflag:s13], $0x200  }
0x39: {  	[sflag:s13] =	ssyncset.done $0x0  }
0x3a: {  	[sflag:s13] =	ssyncadd.s32 $0xFFFFFE00  }
0x3b: {  	_ =	swait.ge [sflag:s14], $0x4000  }
0x3c: {  	[sflag:s14] =	ssyncset.done $0x0  }
0x3d: {  	[sflag:s14] =	ssyncadd.s32 $0xFFFFC000  }
0x3e: {  	[hbm4b:s2+s15] =	stream.indirect.scatter [tilespmem:s5], [sflag:$0x5], $0x80, s3, s15, $0xb8;
	[tilespmem:$0x10200] =	vst v63  }
0x3f: {  	_ =	swait.ge [sflag:s16], $0x4000  }
0x40: {  	[sflag:s16] =	ssyncset.done $0x0  }
0x41: {  	[sflag:s16] =	ssyncadd.s32 $0xFFFFC000  }
0x42: {  	[hbm4b:s2+s15] =	stream.indirect.scatter [tilespmem:s7], [sflag:$0x5], $0x80, s15, s15, $0xb8;
	[tilespmem:$0x10200] =	vst v63  }
0x43: {  	_ =	swait.ge [sflag:s17], $0x4000  }
0x44: {  	[sflag:s17] =	ssyncset.done $0x0  }
0x45: {  	[sflag:s17] =	ssyncadd.s32 $0xFFFFC000  }
0x46: {  	[hbm4b:s2+s15] =	stream.indirect.scatter [tilespmem:s9], [sflag:$0x5], $0x80, s18, s15, $0xb8;
	[tilespmem:$0x10200] =	vst v63  }
0x47: {  	_ =	swait.ge [sflag:s19], $0x4000  }
0x48: {  	[sflag:s19] =	ssyncset.done $0x0  }
0x49: {  	[sflag:s19] =	ssyncadd.s32 $0xFFFFC000  }
0x4a: {  	[hbm4b:s2+s15] =	stream.indirect.scatter [tilespmem:s11], [sflag:$0x5], $0x80, s21, s15, $0xb8;
	[tilespmem:$0x10200] =	vst v63  }
0x4b: {  	_ =	swait.ge [sflag:s20], $0x4000  }
0x4c: {  	[sflag:s20] =	ssyncset.done $0x0  }
0x4d: {  	[sflag:s20] =	ssyncadd.s32 $0xFFFFC000  }
0x4e: {  	_ =	swait.ge [sflag:s20], $0x4000  }
0x4f: {  	[sflag:s20] =	ssyncset.done $0x0  }
0x50: {  	[sflag:s20] =	ssyncadd.s32 $0xFFFFC000  }
.Ltmp1:
0x51: {  	_ =	swait.ge [sflag:s20], $0x4000;
	(pc) =	sbr.rel @p0 .LBB2_1-.Ltmp1, $4  }
0x52: {  	[sflag:s20] =	ssyncset.done $0x0  }
0x53: {  	[sflag:s20] =	ssyncadd.s32 $0xFFFFC000  }
0x54: {  	_ =	swait.ge [sflag:s20], $0x4000  }
0x55: {  	[sflag:s20] =	ssyncset.done $0x0  }
.LBB2_2:
0x56: {  	[sflag:s20] =	ssyncadd.s32 $0xFFFFC000  }
0x57: {  	_ =	sfence.sel $0x180000  }
0x58: {  	[bflag:$0x0] =	sbarrier.arrive $0xFFFF  }
0x59: {  	p0 =	sne.s32 s0, $0x0;
	_ =	strace $0x90000047  }
0x5a: {  	s0 =	sadd.s32 @!p0 $0x100000, s1;
	[bflag:$0x2] =	sbarrier.arrive $0xFFFF  }
0x5b: {  	[sflag:s0] =	ssyncadd.tile.s32 @!p0 $0x1;
	_ =	shalt  }
.Lfunc_end2:
_tile_overlayer_lowered:
.L_overlay_start_2:
0x5c: {  	(tag) =	ssettag $0x2  }
0x5d: {  	s0 =	rddreg [dreg:$0x0];
	s2 =	stileid.u32  }
0x5e: {  	s1 =	rddreg [dreg:$0x1];
	p0 =	sne.s32 s2, $0x0  }
0x5f: {  	s3 =	rddreg [dreg:$0x2];
	[bflag:$0x3] =	sbarrier.arrive $0xFFFF;
	s2 =	simm.s32 @!p0 $0x1C06  }
0x60: {  	[timem:s3], [sflag:s2] =	dma.local @!p0 [hbm:s0], s1  }
0x61: {  	s0 =	simm.s32 @!p0 $0x6  }
0x62: {  	_ =	swait.ge @!p0 [sflag:s0], s1  }
0x63: {  	s1 =	ssub.s32 @!p0 $0x0, s1;
	[sflag:s0] =	ssyncset.done @!p0 $0x0  }
0x64: {  	[sflag:s0] =	ssyncadd.s32 @!p0 s1  }
0x65: {  	[bflag:$0x3] =	sbarrier.arrive $0xFFFF  }
0x66: {  	_ =	shalt  }

</sc_bundles>
